<compile_context>
chip_gen: v7x
topology: tpu7x:2x2x1
jax: 0.10.2.dev20260603
libtpu: 0.0.44.dev20260713+nightly
codegen_flags: <defaults>
</compile_context>

<pallas_src>
import functools

import jax
import jax.numpy as jnp
from jax import lax
from jax.experimental import pallas as pl
from jax.experimental.pallas import tpu as pltpu
from jax.experimental.pallas import tpu_sc as plsc

_VOCAB = 100000
_DIM = 128
_BATCH = 4096
_NC = 2
_NS = 16
_L = 16
_NW = _NC * _NS
_BPW = _BATCH // _NW
_CHUNK = 128
_NCH = _BPW // _CHUNK


def _sc_partials(word, context, U, V):
    mesh = plsc.VectorSubcoreMesh(core_axis_name="c", subcore_axis_name="s")

    @functools.partial(
        pl.kernel,
        mesh=mesh,
        out_type=jax.ShapeDtypeStruct((_NW, _L), jnp.float32),
        scratch_types=[
            pltpu.VMEM((_BPW,), jnp.int32),
            pltpu.VMEM((_BPW,), jnp.int32),
            pltpu.VMEM((_BPW, _DIM), jnp.float32),
            pltpu.VMEM((_BPW, _DIM), jnp.float32),
            pltpu.VMEM((_L,), jnp.float32),
        ] + [pltpu.SemaphoreType.DMA] * (2 * _NCH),
    )
    def k(word_hbm, ctx_hbm, u_hbm, v_hbm, out_hbm,
          widx, cidx, urows, vrows, sres, *sems):
        wid = lax.axis_index("s") * _NC + lax.axis_index("c")
        base = wid * _BPW
        pltpu.sync_copy(word_hbm.at[pl.ds(base, _BPW)], widx)
        pltpu.sync_copy(ctx_hbm.at[pl.ds(base, _BPW)], cidx)
        copies = []
        for ch in range(_NCH):
            sl = pl.ds(ch * _CHUNK, _CHUNK)
            copies.append(
                pltpu.async_copy(u_hbm.at[widx.at[sl]], urows.at[sl],
                                 sems[2 * ch]))
            copies.append(
                pltpu.async_copy(v_hbm.at[cidx.at[sl]], vrows.at[sl],
                                 sems[2 * ch + 1]))

        nacc = _DIM // _L

        def row(i, accs):
            return tuple(
                accs[j] + (urows[i, pl.ds(j * _L, _L)]
                           * vrows[i, pl.ds(j * _L, _L)])
                for j in range(nacc))

        accs = tuple(jnp.zeros((_L,), jnp.float32) for _ in range(nacc))
        for ch in range(_NCH):
            copies[2 * ch].wait()
            copies[2 * ch + 1].wait()
            accs = lax.fori_loop(ch * _CHUNK, (ch + 1) * _CHUNK, row, accs)
        acc = accs[0]
        for j in range(1, nacc):
            acc = acc + accs[j]
        sres[...] = acc
        pltpu.sync_copy(sres, out_hbm.at[wid])

    return k(word, context, U, V)


def _finalize(partials):
    def body(p_ref, o_ref):
        s = jnp.sum(p_ref[...])
        o_ref[...] = jnp.broadcast_to(jax.nn.log_sigmoid(s), (1, 1))

    return pl.pallas_call(
        body,
        out_shape=jax.ShapeDtypeStruct((1, 1), jnp.float32),
    )(partials)


def kernel(word, context, U, V):
    partials = _sc_partials(word.astype(jnp.int32), context.astype(jnp.int32),
                            U, V)
    return _finalize(partials)

# --- scband reference (transcript-rebuilt; emitter-appended) ---
"""Pipeline reference for scband-skip-gram-15934328668979 (READ-ONLY COPY).

The authoritative reference and input builder live on the scoring server;
editing this copy changes nothing except your own understanding.
"""

import jax, jax.numpy as jnp
import numpy as np

VOCAB = 100000
DIM = 128
BATCH = 4096

def setup_inputs(seed: int = 0) -> dict:
    key = jax.random.key(seed)
    k1, k2, k3, k4 = jax.random.split(key, 4)
    word = jax.random.randint(k1, (BATCH,), 0, VOCAB, dtype=jnp.int64 if jax.config.jax_enable_x64 else jnp.int32)
    context = jax.random.randint(k2, (BATCH,), 0, VOCAB, dtype=jnp.int64 if jax.config.jax_enable_x64 else jnp.int32)
    U = jax.random.normal(k3, (VOCAB, DIM), dtype=jnp.float32)
    V = jax.random.normal(k4, (VOCAB, DIM), dtype=jnp.float32)
    return {"word": word, "context": context, "U": U, "V": V}

def reference(word, context, U, V):
    # emb_word = embeddings_u(word).view((1, -1))
    emb_word = jnp.take(U, word, axis=0).reshape(1, -1)
    # emb_cont = embeddings_v(context).view((1, -1))
    emb_cont = jnp.take(V, context, axis=0).reshape(1, -1)
    # score = mm(emb_word, emb_cont.T)
    score = emb_word @ emb_cont.T
    # output = logsigmoid(score)
    output = jax.nn.log_sigmoid(score)
    return output

if __name__ == "__main__":
    import jax
    _d = setup_inputs()
    print(jax.jit(kernel)(*tuple(_d.values())))

</pallas_src>

<mosaic_0001>
#map = affine_map<(d0, d1) -> (0)>
#map1 = affine_map<(d0, d1) -> (0, 0)>
module attributes {stable_mosaic.version = 14 : i64} {
  func.func @k(%arg0: i32, %arg1: i32, %arg2: memref<4096xi32, #tpu.memory_space<hbm>>, %arg3: memref<4096xi32, #tpu.memory_space<hbm>>, %arg4: memref<100000x128xf32, #tpu.memory_space<hbm>>, %arg5: memref<100000x128xf32, #tpu.memory_space<hbm>>, %arg6: memref<32x16xf32, #tpu.memory_space<hbm>>, %arg7: memref<128xi32, #tpu.memory_space<vmem>>, %arg8: memref<128xi32, #tpu.memory_space<vmem>>, %arg9: memref<128x128xf32, #tpu.memory_space<vmem>>, %arg10: memref<128x128xf32, #tpu.memory_space<vmem>>, %arg11: memref<16xf32, #tpu.memory_space<vmem>>, %arg12: memref<!tpu.dma_semaphore, #tpu.memory_space<semaphore_mem>>, %arg13: memref<!tpu.dma_semaphore, #tpu.memory_space<semaphore_mem>>) attributes {dimension_semantics = [#tpu.dimension_semantics<core_parallel>, #tpu.dimension_semantics<subcore_parallel>], iteration_bounds = array<i64: 2, 16>, scalar_prefetch = 0 : i64, scratch_operands = 7 : i64, tpu.core_type = #tpu.core_type<sc_vector_subcore>, window_params = [{transform_indices = #map}, {transform_indices = #map}, {transform_indices = #map1}, {transform_indices = #map1}, {transform_indices = #map1}]} {
    %mul3A = arith.constant 2 : i32
    %mul3A_0 = arith.muli %arg1, %mul3A : i32
    %add3A = arith.addi %mul3A_0, %arg0 : i32
    %mul3A_1 = arith.constant 128 : i32
    %mul3A_2 = arith.muli %add3A, %mul3A_1 : i32
    "tpu.region"() ({
      %run_scoped3A = tpu.sem_alloc : memref<!tpu.dma_semaphore, #tpu.memory_space<semaphore_mem>>
      %dma_start3A_63 = tpu.memref_slice %arg2[%mul3A_2] : memref<4096xi32, #tpu.memory_space<hbm>> -> memref<128xi32, #tpu.memory_space<hbm>>
      %dma_start3A_64 = tpu.memref_slice %arg2[%mul3A_2] : memref<4096xi32, #tpu.memory_space<hbm>> -> memref<128xi32, #tpu.memory_space<hbm>>
      tpu.enqueue_dma source(%dma_start3A_64 : memref<128xi32, #tpu.memory_space<hbm>>) target(%arg7 : memref<128xi32, #tpu.memory_space<vmem>>) target_semaphore(%run_scoped3A : memref<!tpu.dma_semaphore, #tpu.memory_space<semaphore_mem>>)
      %dma_wait3A_65 = tpu.memref_slice %arg2[%mul3A_2] : memref<4096xi32, #tpu.memory_space<hbm>> -> memref<128xi32, #tpu.memory_space<hbm>>
      %dma_wait3A_66 = tpu.memref_slice %arg2[%mul3A_2] : memref<4096xi32, #tpu.memory_space<hbm>> -> memref<128xi32, #tpu.memory_space<hbm>>
      tpu.wait_dma2 semaphore(%run_scoped3A : memref<!tpu.dma_semaphore, #tpu.memory_space<semaphore_mem>>) src(%dma_wait3A_66 : memref<128xi32, #tpu.memory_space<hbm>>) dst(%arg7 : memref<128xi32, #tpu.memory_space<vmem>>)
      tpu.yield
    }) : () -> ()
    "tpu.region"() ({
      %run_scoped3A = tpu.sem_alloc : memref<!tpu.dma_semaphore, #tpu.memory_space<semaphore_mem>>
      %dma_start3A_63 = tpu.memref_slice %arg3[%mul3A_2] : memref<4096xi32, #tpu.memory_space<hbm>> -> memref<128xi32, #tpu.memory_space<hbm>>
      %dma_start3A_64 = tpu.memref_slice %arg3[%mul3A_2] : memref<4096xi32, #tpu.memory_space<hbm>> -> memref<128xi32, #tpu.memory_space<hbm>>
      tpu.enqueue_dma source(%dma_start3A_64 : memref<128xi32, #tpu.memory_space<hbm>>) target(%arg8 : memref<128xi32, #tpu.memory_space<vmem>>) target_semaphore(%run_scoped3A : memref<!tpu.dma_semaphore, #tpu.memory_space<semaphore_mem>>)
      %dma_wait3A_65 = tpu.memref_slice %arg3[%mul3A_2] : memref<4096xi32, #tpu.memory_space<hbm>> -> memref<128xi32, #tpu.memory_space<hbm>>
      %dma_wait3A_66 = tpu.memref_slice %arg3[%mul3A_2] : memref<4096xi32, #tpu.memory_space<hbm>> -> memref<128xi32, #tpu.memory_space<hbm>>
      tpu.wait_dma2 semaphore(%run_scoped3A : memref<!tpu.dma_semaphore, #tpu.memory_space<semaphore_mem>>) src(%dma_wait3A_66 : memref<128xi32, #tpu.memory_space<hbm>>) dst(%arg8 : memref<128xi32, #tpu.memory_space<vmem>>)
      tpu.yield
    }) : () -> ()
    %dma_start3A = arith.constant 0 : i32
    %dma_start3A_3 = arith.constant 0 : i32
    %dma_start3A_4 = tpu.memref_slice %arg9[%dma_start3A, %dma_start3A_3] : memref<128x128xf32, #tpu.memory_space<vmem>> -> memref<128x128xf32, #tpu.memory_space<vmem>>
    %dma_start3A_5 = arith.constant 0 : i32
    %dma_start3A_6 = tpu.memref_slice %arg7[%dma_start3A_5] : memref<128xi32, #tpu.memory_space<vmem>> -> memref<128xi32, #tpu.memory_space<vmem>>
    %dma_start3A_7 = arith.constant 0 : i32
    %dma_start3A_8 = arith.constant 0 : i32
    %dma_start3A_9 = tpu.memref_slice %arg4[%dma_start3A_7, %dma_start3A_8] : memref<100000x128xf32, #tpu.memory_space<hbm>> -> memref<100000x128xf32, #tpu.memory_space<hbm>>
    tpu.enqueue_indirect_dma source(%dma_start3A_9 : memref<100000x128xf32, #tpu.memory_space<hbm>>) target(%dma_start3A_4 : memref<128x128xf32, #tpu.memory_space<vmem>>) offsets(%dma_start3A_6 : memref<128xi32, #tpu.memory_space<vmem>>) semaphore(%arg12 : memref<!tpu.dma_semaphore, #tpu.memory_space<semaphore_mem>>)
    %dma_start3A_10 = arith.constant 0 : i32
    %dma_start3A_11 = arith.constant 0 : i32
    %dma_start3A_12 = tpu.memref_slice %arg10[%dma_start3A_10, %dma_start3A_11] : memref<128x128xf32, #tpu.memory_space<vmem>> -> memref<128x128xf32, #tpu.memory_space<vmem>>
    %dma_start3A_13 = arith.constant 0 : i32
    %dma_start3A_14 = tpu.memref_slice %arg8[%dma_start3A_13] : memref<128xi32, #tpu.memory_space<vmem>> -> memref<128xi32, #tpu.memory_space<vmem>>
    %dma_start3A_15 = arith.constant 0 : i32
    %dma_start3A_16 = arith.constant 0 : i32
    %dma_start3A_17 = tpu.memref_slice %arg5[%dma_start3A_15, %dma_start3A_16] : memref<100000x128xf32, #tpu.memory_space<hbm>> -> memref<100000x128xf32, #tpu.memory_space<hbm>>
    tpu.enqueue_indirect_dma source(%dma_start3A_17 : memref<100000x128xf32, #tpu.memory_space<hbm>>) target(%dma_start3A_12 : memref<128x128xf32, #tpu.memory_space<vmem>>) offsets(%dma_start3A_14 : memref<128xi32, #tpu.memory_space<vmem>>) semaphore(%arg13 : memref<!tpu.dma_semaphore, #tpu.memory_space<semaphore_mem>>)
    %broadcast_in_dim3A = arith.constant 0.000000e+00 : f32
    %broadcast_in_dim3A_18 = vector.broadcast %broadcast_in_dim3A : f32 to vector<16xf32>
    %broadcast_in_dim3A_19 = arith.constant 0.000000e+00 : f32
    %broadcast_in_dim3A_20 = vector.broadcast %broadcast_in_dim3A_19 : f32 to vector<16xf32>
    %broadcast_in_dim3A_21 = arith.constant 0.000000e+00 : f32
    %broadcast_in_dim3A_22 = vector.broadcast %broadcast_in_dim3A_21 : f32 to vector<16xf32>
    %broadcast_in_dim3A_23 = arith.constant 0.000000e+00 : f32
    %broadcast_in_dim3A_24 = vector.broadcast %broadcast_in_dim3A_23 : f32 to vector<16xf32>
    %broadcast_in_dim3A_25 = arith.constant 0.000000e+00 : f32
    %broadcast_in_dim3A_26 = vector.broadcast %broadcast_in_dim3A_25 : f32 to vector<16xf32>
    %broadcast_in_dim3A_27 = arith.constant 0.000000e+00 : f32
    %broadcast_in_dim3A_28 = vector.broadcast %broadcast_in_dim3A_27 : f32 to vector<16xf32>
    %broadcast_in_dim3A_29 = arith.constant 0.000000e+00 : f32
    %broadcast_in_dim3A_30 = vector.broadcast %broadcast_in_dim3A_29 : f32 to vector<16xf32>
    %broadcast_in_dim3A_31 = arith.constant 0.000000e+00 : f32
    %broadcast_in_dim3A_32 = vector.broadcast %broadcast_in_dim3A_31 : f32 to vector<16xf32>
    %dma_wait3A = arith.constant 0 : i32
    %dma_wait3A_33 = arith.constant 0 : i32
    %dma_wait3A_34 = tpu.memref_slice %arg9[%dma_wait3A, %dma_wait3A_33] : memref<128x128xf32, #tpu.memory_space<vmem>> -> memref<128x128xf32, #tpu.memory_space<vmem>>
    %dma_wait3A_35 = arith.constant 0 : i32
    %dma_wait3A_36 = tpu.memref_slice %arg7[%dma_wait3A_35] : memref<128xi32, #tpu.memory_space<vmem>> -> memref<128xi32, #tpu.memory_space<vmem>>
    %dma_wait3A_37 = arith.constant 0 : i32
    %dma_wait3A_38 = arith.constant 0 : i32
    %dma_wait3A_39 = tpu.memref_slice %arg4[%dma_wait3A_37, %dma_wait3A_38] : memref<100000x128xf32, #tpu.memory_space<hbm>> -> memref<100000x128xf32, #tpu.memory_space<hbm>>
    tpu.wait_indirect_dma semaphore(%arg12 : memref<!tpu.dma_semaphore, #tpu.memory_space<semaphore_mem>>) src(%dma_wait3A_39 : memref<100000x128xf32, #tpu.memory_space<hbm>>) dst(%dma_wait3A_34 : memref<128x128xf32, #tpu.memory_space<vmem>>)
    %dma_wait3A_40 = arith.constant 0 : i32
    %dma_wait3A_41 = arith.constant 0 : i32
    %dma_wait3A_42 = tpu.memref_slice %arg10[%dma_wait3A_40, %dma_wait3A_41] : memref<128x128xf32, #tpu.memory_space<vmem>> -> memref<128x128xf32, #tpu.memory_space<vmem>>
    %dma_wait3A_43 = arith.constant 0 : i32
    %dma_wait3A_44 = tpu.memref_slice %arg8[%dma_wait3A_43] : memref<128xi32, #tpu.memory_space<vmem>> -> memref<128xi32, #tpu.memory_space<vmem>>
    %dma_wait3A_45 = arith.constant 0 : i32
    %dma_wait3A_46 = arith.constant 0 : i32
    %dma_wait3A_47 = tpu.memref_slice %arg5[%dma_wait3A_45, %dma_wait3A_46] : memref<100000x128xf32, #tpu.memory_space<hbm>> -> memref<100000x128xf32, #tpu.memory_space<hbm>>
    tpu.wait_indirect_dma semaphore(%arg13 : memref<!tpu.dma_semaphore, #tpu.memory_space<semaphore_mem>>) src(%dma_wait3A_47 : memref<100000x128xf32, #tpu.memory_space<hbm>>) dst(%dma_wait3A_42 : memref<128x128xf32, #tpu.memory_space<vmem>>)
    %scan3A = arith.constant 0 : i32
    %scan3A_48 = arith.constant 128 : i32
    %scan3A_49 = arith.addi %scan3A, %scan3A_48 : i32
    %scan3A_50 = arith.constant 1 : i32
    %scan3A_51:8 = scf.for %scan3A_63 = %scan3A to %scan3A_49 step %scan3A_50 iter_args(%scan3A_64 = %broadcast_in_dim3A_18, %scan3A_65 = %broadcast_in_dim3A_20, %scan3A_66 = %broadcast_in_dim3A_22, %scan3A_67 = %broadcast_in_dim3A_24, %scan3A_68 = %broadcast_in_dim3A_26, %scan3A_69 = %broadcast_in_dim3A_28, %scan3A_70 = %broadcast_in_dim3A_30, %scan3A_71 = %broadcast_in_dim3A_32) -> (vector<16xf32>, vector<16xf32>, vector<16xf32>, vector<16xf32>, vector<16xf32>, vector<16xf32>, vector<16xf32>, vector<16xf32>)  : i32 {
      %get3A = arith.index_cast %scan3A_63 : i32 to index
      %get3A_72 = arith.constant 0 : index
      %get3A_73 = tpu.vector_load %arg9[%get3A, %get3A_72] {strides = array<i32>} : memref<128x128xf32, #tpu.memory_space<vmem>>, vector<1x16xf32>,
      %get3A_74 = vector.shape_cast %get3A_73 : vector<1x16xf32> to vector<16xf32>
      %get3A_75 = arith.index_cast %scan3A_63 : i32 to index
      %get3A_76 = arith.constant 0 : index
      %get3A_77 = tpu.vector_load %arg10[%get3A_75, %get3A_76] {strides = array<i32>} : memref<128x128xf32, #tpu.memory_space<vmem>>, vector<1x16xf32>,
      %get3A_78 = vector.shape_cast %get3A_77 : vector<1x16xf32> to vector<16xf32>
      %mul3A_79 = arith.mulf %get3A_74, %get3A_78 : vector<16xf32>
      %add3A_80 = arith.addf %scan3A_64, %mul3A_79 : vector<16xf32>
      %get3A_81 = arith.index_cast %scan3A_63 : i32 to index
      %get3A_82 = arith.constant 16 : index
      %get3A_83 = tpu.vector_load %arg9[%get3A_81, %get3A_82] {strides = array<i32>} : memref<128x128xf32, #tpu.memory_space<vmem>>, vector<1x16xf32>,
      %get3A_84 = vector.shape_cast %get3A_83 : vector<1x16xf32> to vector<16xf32>
      %get3A_85 = arith.index_cast %scan3A_63 : i32 to index
      %get3A_86 = arith.constant 16 : index
      %get3A_87 = tpu.vector_load %arg10[%get3A_85, %get3A_86] {strides = array<i32>} : memref<128x128xf32, #tpu.memory_space<vmem>>, vector<1x16xf32>,
      %get3A_88 = vector.shape_cast %get3A_87 : vector<1x16xf32> to vector<16xf32>
      %mul3A_89 = arith.mulf %get3A_84, %get3A_88 : vector<16xf32>
      %add3A_90 = arith.addf %scan3A_65, %mul3A_89 : vector<16xf32>
      %get3A_91 = arith.index_cast %scan3A_63 : i32 to index
      %get3A_92 = arith.constant 32 : index
      %get3A_93 = tpu.vector_load %arg9[%get3A_91, %get3A_92] {strides = array<i32>} : memref<128x128xf32, #tpu.memory_space<vmem>>, vector<1x16xf32>,
      %get3A_94 = vector.shape_cast %get3A_93 : vector<1x16xf32> to vector<16xf32>
      %get3A_95 = arith.index_cast %scan3A_63 : i32 to index
      %get3A_96 = arith.constant 32 : index
      %get3A_97 = tpu.vector_load %arg10[%get3A_95, %get3A_96] {strides = array<i32>} : memref<128x128xf32, #tpu.memory_space<vmem>>, vector<1x16xf32>,
      %get3A_98 = vector.shape_cast %get3A_97 : vector<1x16xf32> to vector<16xf32>
      %mul3A_99 = arith.mulf %get3A_94, %get3A_98 : vector<16xf32>
      %add3A_100 = arith.addf %scan3A_66, %mul3A_99 : vector<16xf32>
      %get3A_101 = arith.index_cast %scan3A_63 : i32 to index
      %get3A_102 = arith.constant 48 : index
      %get3A_103 = tpu.vector_load %arg9[%get3A_101, %get3A_102] {strides = array<i32>} : memref<128x128xf32, #tpu.memory_space<vmem>>, vector<1x16xf32>,
      %get3A_104 = vector.shape_cast %get3A_103 : vector<1x16xf32> to vector<16xf32>
      %get3A_105 = arith.index_cast %scan3A_63 : i32 to index
      %get3A_106 = arith.constant 48 : index
      %get3A_107 = tpu.vector_load %arg10[%get3A_105, %get3A_106] {strides = array<i32>} : memref<128x128xf32, #tpu.memory_space<vmem>>, vector<1x16xf32>,
      %get3A_108 = vector.shape_cast %get3A_107 : vector<1x16xf32> to vector<16xf32>
      %mul3A_109 = arith.mulf %get3A_104, %get3A_108 : vector<16xf32>
      %add3A_110 = arith.addf %scan3A_67, %mul3A_109 : vector<16xf32>
      %get3A_111 = arith.index_cast %scan3A_63 : i32 to index
      %get3A_112 = arith.constant 64 : index
      %get3A_113 = tpu.vector_load %arg9[%get3A_111, %get3A_112] {strides = array<i32>} : memref<128x128xf32, #tpu.memory_space<vmem>>, vector<1x16xf32>,
      %get3A_114 = vector.shape_cast %get3A_113 : vector<1x16xf32> to vector<16xf32>
      %get3A_115 = arith.index_cast %scan3A_63 : i32 to index
      %get3A_116 = arith.constant 64 : index
      %get3A_117 = tpu.vector_load %arg10[%get3A_115, %get3A_116] {strides = array<i32>} : memref<128x128xf32, #tpu.memory_space<vmem>>, vector<1x16xf32>,
      %get3A_118 = vector.shape_cast %get3A_117 : vector<1x16xf32> to vector<16xf32>
      %mul3A_119 = arith.mulf %get3A_114, %get3A_118 : vector<16xf32>
      %add3A_120 = arith.addf %scan3A_68, %mul3A_119 : vector<16xf32>
      %get3A_121 = arith.index_cast %scan3A_63 : i32 to index
      %get3A_122 = arith.constant 80 : index
      %get3A_123 = tpu.vector_load %arg9[%get3A_121, %get3A_122] {strides = array<i32>} : memref<128x128xf32, #tpu.memory_space<vmem>>, vector<1x16xf32>,
      %get3A_124 = vector.shape_cast %get3A_123 : vector<1x16xf32> to vector<16xf32>
      %get3A_125 = arith.index_cast %scan3A_63 : i32 to index
      %get3A_126 = arith.constant 80 : index
      %get3A_127 = tpu.vector_load %arg10[%get3A_125, %get3A_126] {strides = array<i32>} : memref<128x128xf32, #tpu.memory_space<vmem>>, vector<1x16xf32>,
      %get3A_128 = vector.shape_cast %get3A_127 : vector<1x16xf32> to vector<16xf32>
      %mul3A_129 = arith.mulf %get3A_124, %get3A_128 : vector<16xf32>
      %add3A_130 = arith.addf %scan3A_69, %mul3A_129 : vector<16xf32>
      %get3A_131 = arith.index_cast %scan3A_63 : i32 to index
      %get3A_132 = arith.constant 96 : index
      %get3A_133 = tpu.vector_load %arg9[%get3A_131, %get3A_132] {strides = array<i32>} : memref<128x128xf32, #tpu.memory_space<vmem>>, vector<1x16xf32>,
      %get3A_134 = vector.shape_cast %get3A_133 : vector<1x16xf32> to vector<16xf32>
      %get3A_135 = arith.index_cast %scan3A_63 : i32 to index
      %get3A_136 = arith.constant 96 : index
      %get3A_137 = tpu.vector_load %arg10[%get3A_135, %get3A_136] {strides = array<i32>} : memref<128x128xf32, #tpu.memory_space<vmem>>, vector<1x16xf32>,
      %get3A_138 = vector.shape_cast %get3A_137 : vector<1x16xf32> to vector<16xf32>
      %mul3A_139 = arith.mulf %get3A_134, %get3A_138 : vector<16xf32>
      %add3A_140 = arith.addf %scan3A_70, %mul3A_139 : vector<16xf32>
      %get3A_141 = arith.index_cast %scan3A_63 : i32 to index
      %get3A_142 = arith.constant 112 : index
      %get3A_143 = tpu.vector_load %arg9[%get3A_141, %get3A_142] {strides = array<i32>} : memref<128x128xf32, #tpu.memory_space<vmem>>, vector<1x16xf32>,
      %get3A_144 = vector.shape_cast %get3A_143 : vector<1x16xf32> to vector<16xf32>
      %get3A_145 = arith.index_cast %scan3A_63 : i32 to index
      %get3A_146 = arith.constant 112 : index
      %get3A_147 = tpu.vector_load %arg10[%get3A_145, %get3A_146] {strides = array<i32>} : memref<128x128xf32, #tpu.memory_space<vmem>>, vector<1x16xf32>,
      %get3A_148 = vector.shape_cast %get3A_147 : vector<1x16xf32> to vector<16xf32>
      %mul3A_149 = arith.mulf %get3A_144, %get3A_148 : vector<16xf32>
      %add3A_150 = arith.addf %scan3A_71, %mul3A_149 : vector<16xf32>
      scf.yield %add3A_80, %add3A_90, %add3A_100, %add3A_110, %add3A_120, %add3A_130, %add3A_140, %add3A_150 : vector<16xf32>, vector<16xf32>, vector<16xf32>, vector<16xf32>, vector<16xf32>, vector<16xf32>, vector<16xf32>, vector<16xf32>
    }
    %scan3A_52 = arith.constant 128 : i32
    %add3A_53 = arith.addf %scan3A_51#0, %scan3A_51#1 : vector<16xf32>
    %add3A_54 = arith.addf %add3A_53, %scan3A_51#2 : vector<16xf32>
    %add3A_55 = arith.addf %add3A_54, %scan3A_51#3 : vector<16xf32>
    %add3A_56 = arith.addf %add3A_55, %scan3A_51#4 : vector<16xf32>
    %add3A_57 = arith.addf %add3A_56, %scan3A_51#5 : vector<16xf32>
    %add3A_58 = arith.addf %add3A_57, %scan3A_51#6 : vector<16xf32>
    %add3A_59 = arith.addf %add3A_58, %scan3A_51#7 : vector<16xf32>
    %swap3A = arith.constant 0 : index
    %swap3A_60 = tpu.vector_load %arg11[%swap3A] {strides = array<i32>} : memref<16xf32, #tpu.memory_space<vmem>>, vector<16xf32>,
    %swap3A_61 = vector.shape_cast %swap3A_60 : vector<16xf32> to vector<16xf32>
    %swap3A_62 = vector.shape_cast %add3A_59 : vector<16xf32> to vector<16xf32>
    tpu.vector_store %arg11[%swap3A], %swap3A_62 {strides = array<i32>} : memref<16xf32, #tpu.memory_space<vmem>>, vector<16xf32>,
    "tpu.region"() ({
      %run_scoped3A = tpu.sem_alloc : memref<!tpu.dma_semaphore, #tpu.memory_space<semaphore_mem>>
      %dma_start3A_63 = arith.constant 0 : i32
      %dma_start3A_64 = tpu.memref_slice %arg6[%add3A, %dma_start3A_63] : memref<32x16xf32, #tpu.memory_space<hbm>> -> memref<1x16xf32, #tpu.memory_space<hbm>>
      %dma_start3A_65 = tpu.memref_squeeze %dma_start3A_64 : memref<1x16xf32, #tpu.memory_space<hbm>> -> memref<16xf32, #tpu.memory_space<hbm>>
      %dma_start3A_66 = arith.constant 0 : i32
      %dma_start3A_67 = tpu.memref_slice %arg6[%add3A, %dma_start3A_66] : memref<32x16xf32, #tpu.memory_space<hbm>> -> memref<1x16xf32, #tpu.memory_space<hbm>>
      %dma_start3A_68 = tpu.memref_squeeze %dma_start3A_67 : memref<1x16xf32, #tpu.memory_space<hbm>> -> memref<16xf32, #tpu.memory_space<hbm>>
      tpu.enqueue_dma source(%arg11 : memref<16xf32, #tpu.memory_space<vmem>>) target(%dma_start3A_68 : memref<16xf32, #tpu.memory_space<hbm>>) target_semaphore(%run_scoped3A : memref<!tpu.dma_semaphore, #tpu.memory_space<semaphore_mem>>)
      %dma_wait3A_69 = arith.constant 0 : i32
      %dma_wait3A_70 = tpu.memref_slice %arg6[%add3A, %dma_wait3A_69] : memref<32x16xf32, #tpu.memory_space<hbm>> -> memref<1x16xf32, #tpu.memory_space<hbm>>
      %dma_wait3A_71 = tpu.memref_squeeze %dma_wait3A_70 : memref<1x16xf32, #tpu.memory_space<hbm>> -> memref<16xf32, #tpu.memory_space<hbm>>
      %dma_wait3A_72 = arith.constant 0 : i32
      %dma_wait3A_73 = tpu.memref_slice %arg6[%add3A, %dma_wait3A_72] : memref<32x16xf32, #tpu.memory_space<hbm>> -> memref<1x16xf32, #tpu.memory_space<hbm>>
      %dma_wait3A_74 = tpu.memref_squeeze %dma_wait3A_73 : memref<1x16xf32, #tpu.memory_space<hbm>> -> memref<16xf32, #tpu.memory_space<hbm>>
      tpu.wait_dma2 semaphore(%run_scoped3A : memref<!tpu.dma_semaphore, #tpu.memory_space<semaphore_mem>>) src(%arg11 : memref<16xf32, #tpu.memory_space<vmem>>) dst(%dma_wait3A_74 : memref<16xf32, #tpu.memory_space<hbm>>)
      tpu.yield
    }) : () -> ()
    return
  }
}

module attributes {stable_mosaic.version = 14 : i64} {
  func.func @body(%arg0: memref<32x16xf32, #tpu.memory_space<vmem>>, %arg1: memref<1x1xf32, #tpu.memory_space<vmem>>) attributes {dimension_semantics = [], scalar_prefetch = 0 : i64, scratch_operands = 0 : i64, tpu.core_type = #tpu.core_type<tc>} {
    %get3A = arith.constant 0 : index
    %get3A_0 = arith.constant 0 : index
    %get3A_1 = vector.load %arg0[%get3A, %get3A_0] : memref<32x16xf32, #tpu.memory_space<vmem>>, vector<32x16xf32>
    %reduce_sum3A = vector.shape_cast %get3A_1 : vector<32x16xf32> to vector<1x32x16xf32>
    %reduce_sum3A_2 = arith.constant dense<0.000000e+00> : vector<1xf32>
    %reduce_sum3A_3 = vector.multi_reduction <add>, %reduce_sum3A, %reduce_sum3A_2 [1, 2] : vector<1x32x16xf32> to vector<1xf32>
    %reduce_sum3A_4 = vector.shape_cast %reduce_sum3A_3 : vector<1xf32> to vector<1x1x1xf32>
    %reduce_sum3A_5 = vector.extract %reduce_sum3A_4[0, 0, 0] : f32 from vector<1x1x1xf32>
    %neg3A = arith.constant 0.000000e+00 : f32
    %neg3A_6 = arith.subf %neg3A, %reduce_sum3A_5 : f32
    %custom_jvp_call3A = arith.constant 0.000000e+00 : f32
    %max3A = arith.maximumf %neg3A_6, %custom_jvp_call3A : f32
    %sub3A = arith.subf %neg3A_6, %custom_jvp_call3A : f32
    %ne3A = arith.cmpf one, %sub3A, %sub3A : f32
    %add3A = arith.addf %neg3A_6, %custom_jvp_call3A : f32
    %abs3A = math.absf %sub3A : f32
    %neg3A_7 = arith.constant 0.000000e+00 : f32
    %neg3A_8 = arith.subf %neg3A_7, %abs3A : f32
    %exp3A = math.exp %neg3A_8 : f32
    %log1p3A = math.log1p %exp3A : f32
    %add3A_9 = arith.addf %max3A, %log1p3A : f32
    %select_n3A = arith.select %ne3A, %add3A, %add3A_9 : f32
    %neg3A_10 = arith.constant 0.000000e+00 : f32
    %neg3A_11 = arith.subf %neg3A_10, %select_n3A : f32
    %broadcast_in_dim3A = vector.broadcast %neg3A_11 : f32 to vector<1x1xf32>
    %swap3A = arith.constant 0 : index
    %swap3A_12 = arith.constant 0 : index
    %swap3A_13 = vector.load %arg1[%swap3A, %swap3A_12] : memref<1x1xf32, #tpu.memory_space<vmem>>, vector<1x1xf32>
    tpu.vector_store %arg1[%swap3A, %swap3A_12], %broadcast_in_dim3A {strides = array<i32>} : memref<1x1xf32, #tpu.memory_space<vmem>>, vector<1x1xf32>,
    return
  }
}

</mosaic_0001>

<sc_bundles>
// kernel: kernel.4.cloned.1.call-start
scs
__scs_entry_jumppad:
0x0: {  	(pc) =	sbr.rel $0x88, $3  }
0x1: {  	(tag) =	ssettag $0x0;
	lr =	simm.s32 $0x1  }
0x2: {  	[smem:$0x3F9D] =	sst lr;
	_ =	strace $0xD0000000  }
0x3: {  	_ = 	snop  }
0x4: {  	_ = 	snop  }
0x5: {  	_ = 	snop  }
0x6: {  	_ = 	snop  }
0x7: {  	_ = 	snop  }
__scs_overlays_trampoline_lowered:
0x8: {  	[smem:$0x3FAC] =	sst s0  }
0x9: {  	[smem:$0x3FAD] =	sst s1  }
0xa: {  	[smem:$0x3FAE] =	sst s2  }
0xb: {  	[smem:$0x3FAF] =	sst s3  }
0xc: {  	[smem:$0x3FB0] =	sst s4  }
0xd: {  	[smem:$0x3FB1] =	sst s5  }
0xe: {  	[smem:$0x3FB2] =	sst s6  }
0xf: {  	[smem:$0x3FB3] =	sst s7  }
0x10: {  	[smem:$0x3FB4] =	sst s8  }
0x11: {  	[smem:$0x3FB5] =	sst s9;
	s0 =	simm.s32 @!p0 $0x0  }
0x12: {  	s1 =	sld [smem:$0x3F9B];
	s0 =	simm.s32 @p0 $0x1  }
0x13: {  	[smem:$0x3FB6] =	sst s0;
	s0 =	simm.s32 @!p1 $0x0  }
0x14: {  	s2 =	sld [smem:$0x3F9A];
	s0 =	simm.s32 @p1 $0x1  }
0x15: {  	[smem:$0x3FB7] =	sst s0;
	s0 =	simm.s32 @!p2 $0x0  }
0x16: {  	s3 =	sld [smem:$0x3FDB];
	s0 =	simm.s32 @p2 $0x1  }
0x17: {  	s4 =	simm.s32 $0x1BF5;
	[smem:$0x3FB9] =	sst s0  }
0x18: {  	s0 =	sld [smem:$0x3F9C];
	_ =	swait.ge [sflag:s4], $0x0  }
0x19: {  	s7 =	sld [smem:$0x3F9D]  }
0x1a: {  	s8 =	sadd.s32 $0xFFFFE003, lr  }
0x1b: {  	s9 =	sadd.s32 $0xFFFFFEF7, lr;
	s5 =	simm.s32 $0xFFFFFFFF;
	p2 =	slt.u32 s8, $0xFFFFF086  }
0x1c: {  	p1 =	slt.u32 s9, $0xF7A;
	s5 =	simm.s32 @!p2 $0x0  }
0x1d: {  	s5 =	simm.s32 @p1 $0x1;
	p0 =	seq.s32 s7, s2  }
0x1e: {  	s7 =	smul.u32 @!p0 $0xF7A, s2;
	p2 =	seq.s32 @!p0 s5, $0x0  }
0x1f: {  	s9 =	smul.u32 $0xF7A, s1;
	s8 =	simm.s32 @!p0 $0x1BF5;
	p2 =	por !p2, p0  }
0x20: {  	[sflag:s8] =	ssyncset.s32 @!p0 $0xFFFFF086;
	s6 =	sadd.s32 @!p0 s3, s7;
	s7 =	simm.s32 @!p0 $0x108  }
0x21: {  	s3 =	sadd.s32 s3, s9;
	s6 =	sadd.s32 @!p0 $0x88, s6;
	s7 =	simm.s32 @p2 $0x1082  }
0x22: {  	[simem:s7], [sflag:s8] =	dma.local @!p0 [hbm:s6], $0xF7A  }
0x23: {  	s9 =	sor.u32 $0xD0000000, s2;
	s6 =	simm.s32 $0x108;
	_ =	swait.ge @!p0 [sflag:s8], $0x0  }
0x24: {  	s3 =	sadd.s32 $0x88, s3;
	s6 =	simm.s32 @!p1 $0x1082;
	[sflag:s4] =	ssyncset.s32 $0xFFFFF086  }
0x25: {  	[simem:s6], [sflag:s4] =	dma.local [hbm:s3], $0xF7A  }
0x26: {  	[smem:$0x3F9D] =	sst s1;
	(tag) =	ssettag s2;
	_ =	strace s9  }
0x27: {  	s1 =	sld [smem:$0x3FAD]  }
0x28: {  	s2 =	sld [smem:$0x3FAE]  }
0x29: {  	s4 =	sld [smem:$0x3FB0]  }
0x2a: {  	p0 =	seq.s32 s5, $0x0;
	s5 =	sld [smem:$0x3FB1]  }
0x2b: {  	s6 =	sld [smem:$0x3FB2]  }
0x2c: {  	s7 =	sld [smem:$0x3FB3]  }
0x2d: {  	s3 =	simm.s32 $0x108;
	s8 =	sld [smem:$0x3FB4]  }
0x2e: {  	s3 =	simm.s32 @!p0 $0x1082;
	s9 =	sld [smem:$0x3FB5]  }
0x2f: {  	lr =	sadd.s32 s0, s3;
	s0 =	sld [smem:$0x3FAC]  }
0x30: {  	s3 =	sld [smem:$0x3FAF]  }
0x31: {  	[smem:$0x3FB8] =	sst s10  }
0x32: {  	s10 =	sld [smem:$0x3FB6];
	_ =	sdelay $0x3  }
0x33: {  	p0 =	seq.s32 s10, $0x1;
	s10 =	sld [smem:$0x3FB8];
	_ =	sdelay $0x3  }
0x34: {  	[smem:$0x3FB8] =	sst s10  }
0x35: {  	s10 =	sld [smem:$0x3FB7];
	_ =	sdelay $0x3  }
0x36: {  	p1 =	seq.s32 s10, $0x1;
	s10 =	sld [smem:$0x3FB8];
	_ =	sdelay $0x3  }
0x37: {  	[smem:$0x3FB8] =	sst s10  }
0x38: {  	s10 =	sld [smem:$0x3FB9]  }
0x39: {  	_ = 	snop;
	(pc) =	sbr.ind lr, $3  }
0x3a: {  	_ = 	snop  }
0x3b: {  	_ = 	snop  }
0x3c: {  	p2 =	seq.s32 s10, $0x1;
	s10 =	sld [smem:$0x3FB8]  }
0x3d: {  	_ =	shalt  }
0x3e: {  	_ =	shalt  }
0x3f: {  	_ =	shalt  }
0x40: {  	_ =	shalt  }
0x41: {  	_ =	shalt  }
0x42: {  	_ =	shalt  }
0x43: {  	_ =	shalt  }
0x44: {  	_ =	shalt  }
0x45: {  	_ =	shalt  }
0x46: {  	_ =	shalt  }
0x47: {  	_ =	shalt  }
0x48: {  	_ =	shalt  }
0x49: {  	_ =	shalt  }
0x4a: {  	_ =	shalt  }
0x4b: {  	_ =	shalt  }
0x4c: {  	_ =	shalt  }
0x4d: {  	_ =	shalt  }
0x4e: {  	_ =	shalt  }
0x4f: {  	_ =	shalt  }
0x50: {  	_ =	shalt  }
0x51: {  	_ =	shalt  }
0x52: {  	_ =	shalt  }
0x53: {  	_ =	shalt  }
0x54: {  	_ =	shalt  }
0x55: {  	_ =	shalt  }
0x56: {  	_ =	shalt  }
0x57: {  	_ =	shalt  }
0x58: {  	_ =	shalt  }
0x59: {  	_ =	shalt  }
0x5a: {  	_ =	shalt  }
0x5b: {  	_ =	shalt  }
0x5c: {  	_ =	shalt  }
0x5d: {  	_ =	shalt  }
0x5e: {  	_ =	shalt  }
0x5f: {  	_ =	shalt  }
0x60: {  	_ =	shalt  }
0x61: {  	_ =	shalt  }
0x62: {  	_ =	shalt  }
0x63: {  	_ =	shalt  }
0x64: {  	_ =	shalt  }
0x65: {  	_ =	shalt  }
0x66: {  	_ =	shalt  }
0x67: {  	_ =	shalt  }
0x68: {  	_ =	shalt  }
0x69: {  	_ =	shalt  }
0x6a: {  	_ =	shalt  }
0x6b: {  	_ =	shalt  }
0x6c: {  	_ =	shalt  }
0x6d: {  	_ =	shalt  }
0x6e: {  	_ =	shalt  }
0x6f: {  	_ =	shalt  }
0x70: {  	_ =	shalt  }
0x71: {  	_ =	shalt  }
0x72: {  	_ =	shalt  }
0x73: {  	_ =	shalt  }
0x74: {  	_ =	shalt  }
0x75: {  	_ =	shalt  }
0x76: {  	_ =	shalt  }
0x77: {  	_ =	shalt  }
0x78: {  	_ =	shalt  }
0x79: {  	_ =	shalt  }
0x7a: {  	_ =	shalt  }
0x7b: {  	_ =	shalt  }
0x7c: {  	_ =	shalt  }
0x7d: {  	_ =	shalt  }
0x7e: {  	_ =	shalt  }
0x7f: {  	_ =	shalt  }
0x80: {  	_ =	shalt  }
0x81: {  	_ =	shalt  }
0x82: {  	_ =	shalt  }
0x83: {  	_ =	shalt  }
0x84: {  	_ =	shalt  }
0x85: {  	_ =	shalt  }
0x86: {  	_ =	shalt  }
0x87: {  	_ =	shalt  }
.Lfunc_end0:
.L_simem_size_0:
called_computation_lowered:
.L_overlay_start_0:
0x88: {  	s2 =	sld [smem:$0x3FD9]  }
0x89: {  	s3 =	sld [smem:$0x3FFE];
	_ =	sdelay $0x1  }
0x8a: {  	s1 =	srdreg.scid  }
0x8b: {  	s0 =	sand.u32 $0x1, s1  }
0x8c: {  	s17 =	sshll.u32 s0, $0xA;
	s2 =	sadd.s32 s3, s2  }
0x8d: {  	s2 =	sadd.s32 s2, s17  }
0x8e: {  	[smem:$0x3FC4] =	sst s2  }
0x8f: {  	_ = 	snop  }
0x90: {  	s2 =	sld [smem:$0x3FC9]  }
0x91: {  	s18 =	sld [smem:$0x3FC8]  }
0x92: {  	s4 =	sld [smem:$0x3FC7]  }
0x93: {  	s5 =	sld [smem:$0x3FC6];
	(tm) =	ssettm $0x1  }
0x94: {  	s6 =	sld [smem:$0x3FFB];
	_ =	sdelay $0x3  }
0x95: {  	_ =	strace s6  }
0x96: {  	s6 =	sld [smem:$0x3FFC];
	_ =	sdelay $0x3  }
0x97: {  	_ =	strace s6  }
0x98: {  	s6 =	sld [smem:$0x3FFD];
	_ =	sdelay $0x3  }
0x99: {  	_ =	strace s6  }
0x9a: {  	_ =	strace $0x8FFFFFFF  }
0x9b: {  	s19 =	sld [smem:$0x3FDB];
	_ =	sdelay $0x1  }
0x9c: {  	s7 =	simm.s32 $_scs_section_size  }
0x9d: {  	s8 =	simm.s32 $_size__tile_overlayer_lowered;
	s9 =	simm.s32 $_tile_overlayer_lowered  }
0x9e: {  	s22 =	simm.s32 $0x1BFF;
	s21 =	sshll.u32 s9, $0x1;
	s6 =	sadd.s32 s7, s19  }
0x9f: {  	s10 =	simm.s32 $0x0;
	s20 =	sshll.u32 s8, $0x1;
	s8 =	sadd.s32 s21, s6  }
0xa0: {  	[timem:s10], [sflag:s22] =	dma.local [hbm:s8], s20  }
0xa1: {  	_ =	swait.ge [sflag:s22], s20  }
0xa2: {  	s7 =	ssub.s32 $0x0, s20;
	[sflag:s22] =	ssyncset.done $0x0  }
0xa3: {  	[sflag:s22] =	ssyncadd.s32 s7;
	_ =	sdelay $0x1  }
0xa4: {  	s23 =	simm.s32 $0x1B8B  }
0xa5: {  	_ =	swait.ge [sflag:s23], $0x1  }
0xa6: {  	[sflag:s23] =	ssyncset.done $0x0  }
0xa7: {  	s25 =	simm.s32 $0x1B8E;
	s24 =	sld [smem:$0x3FFE];
	[sflag:s23] =	ssyncadd.s32 $0xFFFFFFFF  }
0xa8: {  	s26 =	simm.s32 $execute0_lowered;
	[smem:$0x3FD2] =	sst s25  }
0xa9: {  	s8 =	sshll.u32 s26, $0x1;
	_ =	strace $0x80000046;
	[dreg:$0x1] =	wrdreg $0xFFFFFFFF  }
0xaa: {  	s28 =	simm.s32 $_size_execute0_lowered;
	s6 =	sadd.s32 s6, s8;
	[dreg:$0x0] =	wrdreg $0x0  }
0xab: {  	s8 =	sshll.u32 s28, $0x1;
	[dreg:$0x2] =	wrdreg s6  }
0xac: {  	[dreg:$0x3] =	wrdreg s8  }
0xad: {  	[dreg:$0x4] =	wrdreg $0xC0  }
0xae: {  	_ =	task [dreg:s10], $0x5FFFF  }
0xaf: {  	[dreg:$0x1] =	wrdreg $0xFFFFFFFF  }
0xb0: {  	[dreg:$0x0] =	wrdreg $0x60  }
0xb1: {  	[dreg:$0x2] =	wrdreg s2  }
0xb2: {  	[dreg:$0x3] =	wrdreg s18  }
0xb3: {  	[dreg:$0x4] =	wrdreg s4  }
0xb4: {  	[dreg:$0x5] =	wrdreg s5  }
0xb5: {  	[dreg:$0x6] =	wrdreg s24  }
0xb6: {  	[dreg:$0x7] =	wrdreg $0x9  }
0xb7: {  	_ =	task.clear_ibuf [dreg:s10], $0x8FFFF;
	_ =	strace $0x90000046  }
0xb8: {  	s29 =	simm.s32 $0x9;
	_ =	strace $0x80000048  }
0xb9: {  	_ =	swait.ge [sflag:s29], $0x1  }
0xba: {  	[sflag:s29] =	ssyncadd.s32 $0xFFFFFFFF  }
0xbb: {  	_ =	strace $0x90000048  }
0xbc: {  	_ =	sfence  }
0xbd: {  	s30 =	sld [smem:$0x0];
	_ =	sdelay $0x2  }
0xbe: {  	s31 =	sshll.u32 s1, $0xD;
	s1 =	sshrl.u32 s1, $0x2  }
0xbf: {  	s3 =	sand.u32 $0x4000, s31;
	s1 =	sadd.s32 s1, s30  }
0xc0: {  	s0 =	sor.u32 s3, s0;
	s1 =	sshll.u32 s1, $0x11  }
0xc1: {  	s0 =	sor.u32 s1, s0  }
0xc2: {  	s0 =	sadd.s32 $0x8F2B, s0  }
0xc3: {  	[sflag:s0] =	ssyncadd.remote.s32 $0x1  }
0xc4: {  	_ =	sfence.sel $0xFFFF  }
0xc5: {  	[dreg:$0x0] =	wrdreg $0xFFFFFFFF;
	(pc) =	sbr.abs _section_cstart, $3  }
0xc6: {  	[dreg:$0x1] =	wrdreg $0xFFFFFFFF  }
0xc7: {  	_ =	task.clear_ibuf [dreg:s10], $0x2FFFF;
	_ =	strace $0x9FFFFFFF  }
0xc8: {  	(tm) =	ssettm $0x7FFFFFFF  }
0xc9: {  	_ =	shalt  }
tec
execute0_lowered:
.L_overlay_start_1:
0x0: {  	(tag) =	ssettag $0x1  }
0x1: {  	s5 =	rddreg [dreg:$0x0]  }
0x2: {  	s6 =	rddreg [dreg:$0x1]  }
0x3: {  	s1 =	rddreg [dreg:$0x2]  }
0x4: {  	s2 =	rddreg [dreg:$0x3]  }
0x5: {  	s7 =	rddreg [dreg:$0x4]  }
0x6: {  	s0 =	rddreg [dreg:$0x5];
	s8 =	srdreg.scid  }
0x7: {  	s4 =	simm.s32 $0x0;
	s3 =	stileid.u32;
	s11 =	simm.s32 $0x100  }
0x8: {  	s12 =	simm.s32 $0x4100;
	s13 =	simm.s32 $0x1;
	s14 =	simm.s32 $0x2  }
0x9: {  	s15 =	simm.s32 $0x8100;
	s16 =	simm.s32 $0x0;
	s8 =	sand.u32 $0x1, s8  }
0xa: {  	s9 =	sshll.u32 s3, $0x5;
	[smem:$0x7FF] =	sst s4;
	s10 =	sshll.u32 s8, $0x4  }
0xb: {  	s8 =	ssub.s32 $0x2, s8;
	_ =	strace $0x80000047;
	s9 =	sor.u32 s10, s9  }
0xc: {  	s31 =	sshrl.u32 s8, $0x1;
	s10 =	simm.s32 $0x80;
	s7 =	sadd.s32 s9, s7  }
0xd: {  	s8 =	ssub.s32 s8, s31;
	s5 =	sadd.s32 s5, s9;
	s6 =	sadd.s32 s6, s9  }
0xe: {  	s9 =	simm.s32 $0x3;
	s7 =	sadd.s32 $0x600, s7;
	s8 =	smax.u32 s8, $0x1  }
.LBB2_1:
0xf: {  	[tilespmem:s4], [sflag:$0x3] =	stream.linear.gather [hbm4b:s5+s4], $0x80, $0x38;
	[tilespmem:$0x8180] =	vst v63  }
0x10: {  	_ =	swait.ge [sflag:s9], $0x80  }
0x11: {  	[sflag:s9] =	ssyncset.done $0x0  }
0x12: {  	[sflag:s9] =	ssyncadd.s32 $0xFFFFFF80  }
0x13: {  	[tilespmem:s10], [sflag:$0x3] =	stream.linear.gather [hbm4b:s6+s4], $0x80, $0x38;
	[tilespmem:$0x8180] =	vst v63  }
0x14: {  	_ =	swait.ge [sflag:s9], $0x80  }
0x15: {  	[sflag:s9] =	ssyncset.done $0x0  }
0x16: {  	[sflag:s9] =	ssyncadd.s32 $0xFFFFFF80  }
0x17: {  	[tilespmem:s11], [sflag:$0x1] =	stream.indirect.gather [hbm4b:s1+s10], $0x80, s4, s10, $0xb8;
	[tilespmem:$0x8180] =	vst v63  }
0x18: {  	_ = 	snop  }
0x19: {  	[tilespmem:s12], [sflag:$0x2] =	stream.indirect.gather [hbm4b:s2+s10], $0x80, s10, s10, $0xb8;
	[tilespmem:$0x8180] =	vst v63  }
0x1a: {  	_ =	swait.ge [sflag:s13], $0x4000  }
0x1b: {  	[sflag:s13] =	ssyncset.done $0x0  }
0x1c: {  	[sflag:s13] =	ssyncadd.s32 $0xFFFFC000  }
0x1d: {  	_ =	swait.ge [sflag:s14], $0x4000  }
0x1e: {  	[sflag:s14] =	ssyncset.done $0x0  }
0x1f: {  	s18 =	simm.s32 $0x0;
	[sflag:s14] =	ssyncadd.s32 $0xFFFFC000  }
0x20: {  	v0 =	vld [tilespmem:s18+$0x170]  }
0x21: {  	v1 =	vld [tilespmem:s18+$0x4170]  }
0x22: {  	v2 =	vld [tilespmem:s18+$0x100]  }
0x23: {  	v3 =	vld [tilespmem:s18+$0x4100]  }
0x24: {  	v4 =	vld [tilespmem:s18+$0x110]  }
0x25: {  	v5 =	vld [tilespmem:s18+$0x4110]  }
0x26: {  	v6 =	vld [tilespmem:s18+$0x120]  }
0x27: {  	v7 =	vld [tilespmem:s18+$0x4120]  }
0x28: {  	v8 =	vld [tilespmem:s18+$0x130]  }
0x29: {  	v10 =	vld [tilespmem:s18+$0x4130]  }
0x2a: {  	v13 =	vld [tilespmem:s18+$0x140]  }
0x2b: {  	v14 =	vld [tilespmem:s18+$0x4140];
	_ =	sdelay $0x1  }
0x2c: {  	v9 =	vld [tilespmem:s18+$0x150];
	v0 =	vmul.f32 v1, v0;
	v2 =	vmul.f32 v3, v2  }
0x2d: {  	v11 =	vld [tilespmem:s18+$0x4150];
	v1 =	vimm.f32 $0.0e+00;
	v3 =	vmul.f32 v5, v4;
	v4 =	vmul.f32 v7, v6  }
0x2e: {  	v12 =	vld [tilespmem:s18+$0x4160];
	v8 =	vmul.f32 v10, v8;
	v0 =	vadd.f32 v0, v1;
	v6 =	vadd.f32 v2, v1  }
0x2f: {  	s17 =	simm.s32 $0x80;
	v10 =	vld [tilespmem:s18+$0x160];
	v13 =	vmul.f32 v14, v13;
	v7 =	vadd.f32 v3, v1;
	v5 =	vadd.f32 v4, v1  }
0x30: {  	s18 =	simm.s32 $0x400;
	v4 =	vadd.f32 v8, v1;
	v8 =	vld [tilespmem:s17+$0x170];
	v3 =	vimm.f32 $0.0e+00;
	v2 =	vimm.f32 $0.0e+00  }
.LBB2_2:
0x31: {  	p0 =	sne.s32 s18, $0xFE00;
	v14 =	vld [tilespmem:s17+$0x4170]  }
0x32: {  	v15 =	vld [tilespmem:s17+$0x100];
	v1 =	vadd.f32 v13, v1;
	v9 =	vmul.f32 v11, v9  }
0x33: {  	v11 =	vld [tilespmem:s17+$0x4100]  }
0x34: {  	v13 =	vld [tilespmem:s17+$0x110];
	v3 =	vadd.f32 v9, v3;
	v9 =	vmul.f32 v12, v10  }
0x35: {  	v10 =	vld [tilespmem:s17+$0x4110]  }
0x36: {  	v12 =	vld [tilespmem:s17+$0x120];
	v8 =	vmul.f32 v14, v8;
	v2 =	vadd.f32 v9, v2  }
0x37: {  	v9 =	vld [tilespmem:s17+$0x4120]  }
0x38: {  	v11 =	vmul.f32 v11, v15;
	v14 =	vld [tilespmem:s17+$0x130];
	v0 =	vadd.f32 v8, v0  }
0x39: {  	v8 =	vld [tilespmem:s17+$0x4130]  }
0x3a: {  	v6 =	vadd.f32 v11, v6;
	v10 =	vmul.f32 v10, v13;
	v13 =	vld [tilespmem:s17+$0x140]  }
0x3b: {  	v15 =	vld [tilespmem:s17+$0x4140]  }
.Ltmp0:
0x3c: {  	v7 =	vadd.f32 v10, v7;
	v10 =	vmul.f32 v9, v12;
	v9 =	vld [tilespmem:s17+$0x150];
	(pc) =	sbr.rel @p0 .LBB2_2-.Ltmp0, $4  }
0x3d: {  	v11 =	vld [tilespmem:s17+$0x4150]  }
0x3e: {  	v5 =	vadd.f32 v10, v5;
	v14 =	vmul.f32 v8, v14;
	v10 =	vld [tilespmem:s17+$0x160]  }
0x3f: {  	v12 =	vld [tilespmem:s17+$0x4160];
	s17 =	sshra.s32 s18, $0x2  }
0x40: {  	s18 =	sadd.s32 $0x200, s18;
	v8 =	vld [tilespmem:s17+$0x170];
	v4 =	vadd.f32 v14, v4;
	v13 =	vmul.f32 v15, v13  }
0x41: {  	v14 =	vld [tilespmem:s17+$0x100]  }
0x42: {  	v15 =	vld [tilespmem:s17+$0x4100]  }
0x43: {  	v16 =	vld [tilespmem:s17+$0x110]  }
0x44: {  	v17 =	vld [tilespmem:s17+$0x4110]  }
0x45: {  	v18 =	vld [tilespmem:s17+$0x120]  }
0x46: {  	v19 =	vld [tilespmem:s17+$0x4120]  }
0x47: {  	v20 =	vld [tilespmem:s17+$0x130]  }
0x48: {  	v21 =	vld [tilespmem:s17+$0x4130]  }
0x49: {  	v50 =	vld [tilespmem:s17+$0x140];
	v14 =	vmul.f32 v15, v14;
	v49 =	vmul.f32 v17, v16  }
0x4a: {  	v51 =	vld [tilespmem:s17+$0x4140]  }
0x4b: {  	v53 =	vld [tilespmem:s17+$0x150];
	v52 =	vmul.f32 v19, v18;
	v6 =	vadd.f32 v14, v6;
	v7 =	vadd.f32 v49, v7  }
0x4c: {  	v54 =	vld [tilespmem:s17+$0x4150]  }
0x4d: {  	v56 =	vld [tilespmem:s17+$0x160];
	v55 =	vmul.f32 v21, v20;
	v5 =	vadd.f32 v52, v5;
	v6 =	vadd.f32 v7, v6  }
0x4e: {  	v57 =	vld [tilespmem:s17+$0x4160];
	v1 =	vadd.f32 v13, v1;
	v9 =	vmul.f32 v11, v9  }
0x4f: {  	v58 =	vmul.f32 v51, v50;
	v4 =	vadd.f32 v55, v4;
	v5 =	vadd.f32 v5, v6  }
0x50: {  	v59 =	vld [tilespmem:s17+$0x4170];
	v3 =	vadd.f32 v9, v3;
	v60 =	vmul.f32 v12, v10  }
0x51: {  	v61 =	vmul.f32 v54, v53;
	v1 =	vadd.f32 v58, v1;
	v4 =	vadd.f32 v4, v5  }
0x52: {  	v2 =	vadd.f32 v60, v2  }
0x53: {  	v62 =	vmul.f32 v57, v56;
	v3 =	vadd.f32 v61, v3;
	v1 =	vadd.f32 v1, v4;
	_ =	sdelay $0x1  }
0x54: {  	v63 =	vmul.f32 v59, v8;
	v2 =	vadd.f32 v62, v2;
	v1 =	vadd.f32 v3, v1;
	_ =	sdelay $0x1  }
0x55: {  	v0 =	vadd.f32 v63, v0;
	v1 =	vadd.f32 v2, v1;
	_ =	sdelay $0x1  }
0x56: {  	s16 =	sadd.s32 $0x1, s16;
	v0 =	vadd.f32 v0, v1  }
0x57: {  	p0 =	sne.s32 s16, s8  }
.Ltmp1:
0x58: {  	[tilespmem:$0x8100] =	vst v0;
	(pc) =	sbr.rel @p0 .LBB2_1-.Ltmp1, $4  }
0x59: {  	[hbm4b:s7+s4] =	stream.linear.scatter [tilespmem:s15], [sflag:$0x3], $0x80, $0x38;
	[tilespmem:$0x8180] =	vst v63  }
0x5a: {  	_ =	swait.ge [sflag:s9], $0x80  }
0x5b: {  	[sflag:s9] =	ssyncset.done $0x0  }
0x5c: {  	[sflag:s9] =	ssyncadd.s32 $0xFFFFFF80  }
0x5d: {  	_ =	sfence.sel $0x180000  }
0x5e: {  	[bflag:$0x0] =	sbarrier.arrive $0xFFFF  }
0x5f: {  	p0 =	sne.s32 s3, $0x0;
	_ =	strace $0x90000047  }
0x60: {  	s0 =	sadd.s32 @!p0 $0x100000, s0;
	[bflag:$0x2] =	sbarrier.arrive $0xFFFF  }
0x61: {  	[sflag:s0] =	ssyncadd.tile.s32 @!p0 $0x1;
	_ =	shalt  }
.Lfunc_end2:
_tile_overlayer_lowered:
.L_overlay_start_2:
0x62: {  	(tag) =	ssettag $0x2  }
0x63: {  	s0 =	rddreg [dreg:$0x0];
	s2 =	stileid.u32  }
0x64: {  	s1 =	rddreg [dreg:$0x1];
	p0 =	sne.s32 s2, $0x0  }
0x65: {  	s3 =	rddreg [dreg:$0x2];
	[bflag:$0x3] =	sbarrier.arrive $0xFFFF;
	s2 =	simm.s32 @!p0 $0x1C03  }
0x66: {  	[timem:s3], [sflag:s2] =	dma.local @!p0 [hbm:s0], s1  }
0x67: {  	s0 =	simm.s32 @!p0 $0x3  }
0x68: {  	_ =	swait.ge @!p0 [sflag:s0], s1  }
0x69: {  	s1 =	ssub.s32 @!p0 $0x0, s1;
	[sflag:s0] =	ssyncset.done @!p0 $0x0  }
0x6a: {  	[sflag:s0] =	ssyncadd.s32 @!p0 s1  }
0x6b: {  	[bflag:$0x3] =	sbarrier.arrive $0xFFFF  }
0x6c: {  	_ =	shalt  }

</sc_bundles>
